<compile_context>
chip_gen: v7x
topology: tpu7x:2x2x1
jax: 0.10.2.dev20260603
libtpu: 0.0.44.dev20260713+nightly
codegen_flags: <defaults>
</compile_context>

<pallas_src>
import jax
import jax.numpy as jnp
from jax import lax
from jax.experimental import pallas as pl
from jax.experimental.pallas import tpu as pltpu
from jax.experimental.pallas import tpu_sc as plsc

_B = 4096
_F_CONT = 13
_F_CAT = 26
_VOCAB = 100000
_D = 119
_DP = 120
_ROW = _F_CONT + _F_CAT * _D
_NC = 2
_NS = 16
_NW = _NC * _NS
_ROWS_W = _B // _NW
_C = 8
_TR = _C * _F_CAT
_GH = _TR // 2
_GP = 128
_NCHUNK = _ROWS_W // _C
_L = 16
_ABUF = _C * _ROW + _L
_OUT_CHUNK = _C * _ROW


def _sc_body(cont_hbm, k_hbm, tab_hbm, out_hbm,
             cont_v, kb, gb, ab, gsem, wsem, csem):
    wid = lax.axis_index("s") * _NC + lax.axis_index("c")
    row0 = wid * _ROWS_W

    pltpu.async_copy(cont_hbm.at[pl.ds(row0 * _F_CONT, _ROWS_W * _F_CONT)],
                     cont_v.at[pl.ds(0, _ROWS_W * _F_CONT)], csem)

    def _gather(i):
        base = (wid * _NCHUNK + i) * 2 * _GP
        pltpu.sync_copy(k_hbm.at[pl.ds(base, 2 * _GP)], kb)
        for h in range(2):
            pltpu.async_copy(tab_hbm.at[kb.at[pl.ds(h * _GP, _GP)]],
                             gb.at[pl.ds(h * _GP, _GP)], gsem)

    def _wait_gather():
        for h in range(2):
            pltpu.make_async_copy(tab_hbm.at[kb.at[pl.ds(h * _GP, _GP)]],
                                  gb.at[pl.ds(h * _GP, _GP)], gsem).wait()

    def _write(i):
        dst = out_hbm.at[pl.ds((row0 + i * _C) * _ROW, _OUT_CHUNK)]
        pltpu.async_copy(ab.at[pl.ds(0, _OUT_CHUNK)], dst, wsem)

    def _wait_write():
        dst = out_hbm.at[pl.ds(row0 * _ROW, _OUT_CHUNK)]
        pltpu.make_async_copy(ab.at[pl.ds(0, _OUT_CHUNK)], dst, wsem).wait()

    def _repack(i):
        @pl.loop(0, _C)
        def _row(j):
            asm_base = j * _ROW
            ab[pl.ds(asm_base, _L)] = \
                cont_v[pl.ds((i * _C + j) * _F_CONT, _L)]

            @pl.loop(0, _F_CAT)
            def _field(f):
                r = j * _F_CAT + f
                br = (r // _GH) * _GP + r % _GH
                d0 = asm_base + _F_CONT + f * _D
                for t in range(7):
                    ab[pl.ds(d0 + t * _L, _L)] = gb[br, pl.ds(t * _L, _L)]
                ab[pl.ds(d0 + _D - _L, _L)] = gb[br, pl.ds(_D - _L, _L)]

    pltpu.make_async_copy(
        cont_hbm.at[pl.ds(row0 * _F_CONT, _ROWS_W * _F_CONT)],
        cont_v.at[pl.ds(0, _ROWS_W * _F_CONT)], csem).wait()

    @pl.loop(0, _NCHUNK)
    def _chunks(i):
        _gather(i)
        _wait_gather()
        _repack(i)
        _write(i)
        _wait_write()


@jax.jit
def kernel(continuous_value, category_index, tables):
    mesh = plsc.VectorSubcoreMesh(
        core_axis_name="c", subcore_axis_name="s",
        num_cores=_NC, num_subcores=_NS)
    run = pl.kernel(
        _sc_body,
        out_type=jax.ShapeDtypeStruct((_B * _ROW,), jnp.float32),
        mesh=mesh,
        compiler_params=pltpu.CompilerParams(use_tc_tiling_on_sc=False),
        scratch_types=[
            pltpu.VMEM((_ROWS_W * _F_CONT + _L,), jnp.float32),
            pltpu.VMEM((2 * _GP,), jnp.int32),
            pltpu.VMEM((2 * _GP, _DP), jnp.float32),
            pltpu.VMEM((_ABUF,), jnp.float32),
            pltpu.SemaphoreType.DMA,
            pltpu.SemaphoreType.DMA,
            pltpu.SemaphoreType.DMA,
        ],
    )
    offs = jnp.arange(_F_CAT, dtype=jnp.int32) * _VOCAB
    v = (category_index + offs[None, :]).reshape(-1, _GH)
    klist = jnp.pad(v, ((0, 0), (0, _GP - _GH))).reshape(-1)
    cont_flat = continuous_value.reshape(_B * _F_CONT)
    tabp = tables.reshape(_F_CAT * _VOCAB, _D); tabp = jnp.concatenate([tabp, tabp[:, :1]], axis=1)
    out = run(cont_flat, klist, tabp)
    return out.reshape(_B, _ROW)

# --- scband reference (transcript-rebuilt; emitter-appended) ---
"""Pipeline reference for scband-feature-embedding-43181601194720 (READ-ONLY COPY).

The authoritative reference and input builder live on the scoring server;
editing this copy changes nothing except your own understanding.
"""

import jax, jax.numpy as jnp
import numpy as np

B = 4096
F_CONT = 13
F_CAT = 26
VOCAB = 100000
EMB_DIM = 119  # floor(6 * 100000**0.26)


def setup_inputs(seed: int = 0) -> dict:
    key = jax.random.key(seed)
    k1, k2, k3 = jax.random.split(key, 3)
    continuous_value = jax.random.normal(k1, (B, F_CONT), dtype=jnp.float32)
    category_index = jax.random.randint(k2, (B, F_CAT), 0, VOCAB, dtype=jnp.int32)
    # 26 categorical embedding tables, all vocab=100000, auto dim=119; stacked for convenience
    tables = jax.random.normal(k3, (F_CAT, VOCAB, EMB_DIM), dtype=jnp.float32) * 0.02
    return {"continuous_value": continuous_value, "category_index": category_index, "tables": tables}


def reference(continuous_value, category_index, tables):
    # proc_continuous='concat': each ContinuousEmbedding is identity, so split+concat == identity
    cont_emb = continuous_value
    # per-field categorical embedding lookup, then concat along feature dim
    cate_embs = [tables[i][category_index[:, i]] for i in range(F_CAT)]
    cate_emb = jnp.concatenate(cate_embs, axis=1)
    embedding = jnp.concatenate([cont_emb, cate_emb], axis=1)
    return embedding

if __name__ == "__main__":
    import jax
    _d = setup_inputs()
    print(jax.jit(kernel)(*tuple(_d.values())))

</pallas_src>

<mosaic_0001>
#map = affine_map<(d0, d1) -> (0)>
#map1 = affine_map<(d0, d1) -> (0, 0)>
module attributes {stable_mosaic.version = 14 : i64} {
  func.func @_sc_body(%arg0: i32, %arg1: i32, %arg2: memref<53248xf32, #tpu.memory_space<hbm>>, %arg3: memref<131072xi32, #tpu.memory_space<hbm>>, %arg4: memref<2600000x120xf32, #tpu.memory_space<hbm>>, %arg5: memref<12726272xf32, #tpu.memory_space<hbm>>, %arg6: memref<1680xf32, #tpu.memory_space<vmem>>, %arg7: memref<256xi32, #tpu.memory_space<vmem>>, %arg8: memref<256x120xf32, #tpu.memory_space<vmem>>, %arg9: memref<24872xf32, #tpu.memory_space<vmem>>, %arg10: memref<!tpu.dma_semaphore, #tpu.memory_space<semaphore_mem>>, %arg11: memref<!tpu.dma_semaphore, #tpu.memory_space<semaphore_mem>>, %arg12: memref<!tpu.dma_semaphore, #tpu.memory_space<semaphore_mem>>) attributes {dimension_semantics = [#tpu.dimension_semantics<core_parallel>, #tpu.dimension_semantics<subcore_parallel>], iteration_bounds = array<i64: 2, 16>, scalar_prefetch = 0 : i64, scratch_operands = 7 : i64, tpu.core_type = #tpu.core_type<sc_vector_subcore>, window_params = [{transform_indices = #map}, {transform_indices = #map}, {transform_indices = #map1}, {transform_indices = #map}]} {
    %mul3A = arith.constant 2 : i32
    %mul3A_0 = arith.muli %arg1, %mul3A : i32
    %add3A = arith.addi %mul3A_0, %arg0 : i32
    %mul3A_1 = arith.constant 128 : i32
    %mul3A_2 = arith.muli %add3A, %mul3A_1 : i32
    %mul3A_3 = arith.constant 13 : i32
    %mul3A_4 = arith.muli %mul3A_2, %mul3A_3 : i32
    %dma_start3A = arith.constant 0 : i32
    %dma_start3A_5 = tpu.memref_slice %arg6[%dma_start3A] : memref<1680xf32, #tpu.memory_space<vmem>> -> memref<1664xf32, #tpu.memory_space<vmem>>
    %dma_start3A_6 = tpu.memref_slice %arg2[%mul3A_4] : memref<53248xf32, #tpu.memory_space<hbm>> -> memref<1664xf32, #tpu.memory_space<hbm>>
    %dma_start3A_7 = arith.constant 0 : i32
    %dma_start3A_8 = tpu.memref_slice %arg6[%dma_start3A_7] : memref<1680xf32, #tpu.memory_space<vmem>> -> memref<1664xf32, #tpu.memory_space<vmem>>
    %dma_start3A_9 = tpu.memref_slice %arg2[%mul3A_4] : memref<53248xf32, #tpu.memory_space<hbm>> -> memref<1664xf32, #tpu.memory_space<hbm>>
    tpu.enqueue_dma source(%dma_start3A_9 : memref<1664xf32, #tpu.memory_space<hbm>>) target(%dma_start3A_8 : memref<1664xf32, #tpu.memory_space<vmem>>) target_semaphore(%arg12 : memref<!tpu.dma_semaphore, #tpu.memory_space<semaphore_mem>>)
    %mul3A_10 = arith.constant 13 : i32
    %mul3A_11 = arith.muli %mul3A_2, %mul3A_10 : i32
    %dma_wait3A = arith.constant 0 : i32
    %dma_wait3A_12 = tpu.memref_slice %arg6[%dma_wait3A] : memref<1680xf32, #tpu.memory_space<vmem>> -> memref<1664xf32, #tpu.memory_space<vmem>>
    %dma_wait3A_13 = tpu.memref_slice %arg2[%mul3A_11] : memref<53248xf32, #tpu.memory_space<hbm>> -> memref<1664xf32, #tpu.memory_space<hbm>>
    %dma_wait3A_14 = arith.constant 0 : i32
    %dma_wait3A_15 = tpu.memref_slice %arg6[%dma_wait3A_14] : memref<1680xf32, #tpu.memory_space<vmem>> -> memref<1664xf32, #tpu.memory_space<vmem>>
    %dma_wait3A_16 = tpu.memref_slice %arg2[%mul3A_11] : memref<53248xf32, #tpu.memory_space<hbm>> -> memref<1664xf32, #tpu.memory_space<hbm>>
    tpu.wait_dma2 semaphore(%arg12 : memref<!tpu.dma_semaphore, #tpu.memory_space<semaphore_mem>>) src(%dma_wait3A_16 : memref<1664xf32, #tpu.memory_space<hbm>>) dst(%dma_wait3A_15 : memref<1664xf32, #tpu.memory_space<vmem>>)
    %scan3A = arith.constant 0 : i32
    %scan3A_17 = arith.constant 16 : i32
    %scan3A_18 = arith.addi %scan3A, %scan3A_17 : i32
    %scan3A_19 = arith.constant 1 : i32
    scf.for %scan3A_21 = %scan3A to %scan3A_18 step %scan3A_19  : i32 {
      %mul3A_22 = arith.constant 1 : i32
      %mul3A_23 = arith.muli %scan3A_21, %mul3A_22 : i32
      %add3A_24 = arith.constant 0 : i32
      %add3A_25 = arith.addi %add3A_24, %mul3A_23 : i32
      %mul3A_26 = arith.constant 16 : i32
      %mul3A_27 = arith.muli %add3A, %mul3A_26 : i32
      %add3A_28 = arith.addi %mul3A_27, %add3A_25 : i32
      %mul3A_29 = arith.constant 2 : i32
      %mul3A_30 = arith.muli %add3A_28, %mul3A_29 : i32
      %mul3A_31 = arith.constant 128 : i32
      %mul3A_32 = arith.muli %mul3A_30, %mul3A_31 : i32
      "tpu.region"() ({
        %run_scoped3A = tpu.sem_alloc : memref<!tpu.dma_semaphore, #tpu.memory_space<semaphore_mem>>
        %dma_start3A_89 = tpu.memref_slice %arg3[%mul3A_32] : memref<131072xi32, #tpu.memory_space<hbm>> -> memref<256xi32, #tpu.memory_space<hbm>>
        %dma_start3A_90 = tpu.memref_slice %arg3[%mul3A_32] : memref<131072xi32, #tpu.memory_space<hbm>> -> memref<256xi32, #tpu.memory_space<hbm>>
        tpu.enqueue_dma source(%dma_start3A_90 : memref<256xi32, #tpu.memory_space<hbm>>) target(%arg7 : memref<256xi32, #tpu.memory_space<vmem>>) target_semaphore(%run_scoped3A : memref<!tpu.dma_semaphore, #tpu.memory_space<semaphore_mem>>)
        %dma_wait3A_91 = tpu.memref_slice %arg3[%mul3A_32] : memref<131072xi32, #tpu.memory_space<hbm>> -> memref<256xi32, #tpu.memory_space<hbm>>
        %dma_wait3A_92 = tpu.memref_slice %arg3[%mul3A_32] : memref<131072xi32, #tpu.memory_space<hbm>> -> memref<256xi32, #tpu.memory_space<hbm>>
        tpu.wait_dma2 semaphore(%run_scoped3A : memref<!tpu.dma_semaphore, #tpu.memory_space<semaphore_mem>>) src(%dma_wait3A_92 : memref<256xi32, #tpu.memory_space<hbm>>) dst(%arg7 : memref<256xi32, #tpu.memory_space<vmem>>)
        tpu.yield
      }) : () -> ()
      %dma_start3A_33 = arith.constant 0 : i32
      %dma_start3A_34 = arith.constant 0 : i32
      %dma_start3A_35 = tpu.memref_slice %arg8[%dma_start3A_33, %dma_start3A_34] : memref<256x120xf32, #tpu.memory_space<vmem>> -> memref<128x120xf32, #tpu.memory_space<vmem>>
      %dma_start3A_36 = arith.constant 0 : i32
      %dma_start3A_37 = tpu.memref_slice %arg7[%dma_start3A_36] : memref<256xi32, #tpu.memory_space<vmem>> -> memref<128xi32, #tpu.memory_space<vmem>>
      %dma_start3A_38 = arith.constant 0 : i32
      %dma_start3A_39 = arith.constant 0 : i32
      %dma_start3A_40 = tpu.memref_slice %arg4[%dma_start3A_38, %dma_start3A_39] : memref<2600000x120xf32, #tpu.memory_space<hbm>> -> memref<2600000x120xf32, #tpu.memory_space<hbm>>
      tpu.enqueue_indirect_dma source(%dma_start3A_40 : memref<2600000x120xf32, #tpu.memory_space<hbm>>) target(%dma_start3A_35 : memref<128x120xf32, #tpu.memory_space<vmem>>) offsets(%dma_start3A_37 : memref<128xi32, #tpu.memory_space<vmem>>) semaphore(%arg10 : memref<!tpu.dma_semaphore, #tpu.memory_space<semaphore_mem>>)
      %dma_start3A_41 = arith.constant 128 : i32
      %dma_start3A_42 = arith.constant 0 : i32
      %dma_start3A_43 = tpu.memref_slice %arg8[%dma_start3A_41, %dma_start3A_42] : memref<256x120xf32, #tpu.memory_space<vmem>> -> memref<128x120xf32, #tpu.memory_space<vmem>>
      %dma_start3A_44 = arith.constant 128 : i32
      %dma_start3A_45 = tpu.memref_slice %arg7[%dma_start3A_44] : memref<256xi32, #tpu.memory_space<vmem>> -> memref<128xi32, #tpu.memory_space<vmem>>
      %dma_start3A_46 = arith.constant 0 : i32
      %dma_start3A_47 = arith.constant 0 : i32
      %dma_start3A_48 = tpu.memref_slice %arg4[%dma_start3A_46, %dma_start3A_47] : memref<2600000x120xf32, #tpu.memory_space<hbm>> -> memref<2600000x120xf32, #tpu.memory_space<hbm>>
      tpu.enqueue_indirect_dma source(%dma_start3A_48 : memref<2600000x120xf32, #tpu.memory_space<hbm>>) target(%dma_start3A_43 : memref<128x120xf32, #tpu.memory_space<vmem>>) offsets(%dma_start3A_45 : memref<128xi32, #tpu.memory_space<vmem>>) semaphore(%arg10 : memref<!tpu.dma_semaphore, #tpu.memory_space<semaphore_mem>>)
      %dma_wait3A_49 = arith.constant 0 : i32
      %dma_wait3A_50 = arith.constant 0 : i32
      %dma_wait3A_51 = tpu.memref_slice %arg8[%dma_wait3A_49, %dma_wait3A_50] : memref<256x120xf32, #tpu.memory_space<vmem>> -> memref<128x120xf32, #tpu.memory_space<vmem>>
      %dma_wait3A_52 = arith.constant 0 : i32
      %dma_wait3A_53 = tpu.memref_slice %arg7[%dma_wait3A_52] : memref<256xi32, #tpu.memory_space<vmem>> -> memref<128xi32, #tpu.memory_space<vmem>>
      %dma_wait3A_54 = arith.constant 0 : i32
      %dma_wait3A_55 = arith.constant 0 : i32
      %dma_wait3A_56 = tpu.memref_slice %arg4[%dma_wait3A_54, %dma_wait3A_55] : memref<2600000x120xf32, #tpu.memory_space<hbm>> -> memref<2600000x120xf32, #tpu.memory_space<hbm>>
      tpu.wait_indirect_dma semaphore(%arg10 : memref<!tpu.dma_semaphore, #tpu.memory_space<semaphore_mem>>) src(%dma_wait3A_56 : memref<2600000x120xf32, #tpu.memory_space<hbm>>) dst(%dma_wait3A_51 : memref<128x120xf32, #tpu.memory_space<vmem>>)
      %dma_wait3A_57 = arith.constant 128 : i32
      %dma_wait3A_58 = arith.constant 0 : i32
      %dma_wait3A_59 = tpu.memref_slice %arg8[%dma_wait3A_57, %dma_wait3A_58] : memref<256x120xf32, #tpu.memory_space<vmem>> -> memref<128x120xf32, #tpu.memory_space<vmem>>
      %dma_wait3A_60 = arith.constant 128 : i32
      %dma_wait3A_61 = tpu.memref_slice %arg7[%dma_wait3A_60] : memref<256xi32, #tpu.memory_space<vmem>> -> memref<128xi32, #tpu.memory_space<vmem>>
      %dma_wait3A_62 = arith.constant 0 : i32
      %dma_wait3A_63 = arith.constant 0 : i32
      %dma_wait3A_64 = tpu.memref_slice %arg4[%dma_wait3A_62, %dma_wait3A_63] : memref<2600000x120xf32, #tpu.memory_space<hbm>> -> memref<2600000x120xf32, #tpu.memory_space<hbm>>
      tpu.wait_indirect_dma semaphore(%arg10 : memref<!tpu.dma_semaphore, #tpu.memory_space<semaphore_mem>>) src(%dma_wait3A_64 : memref<2600000x120xf32, #tpu.memory_space<hbm>>) dst(%dma_wait3A_59 : memref<128x120xf32, #tpu.memory_space<vmem>>)
      %scan3A_65 = arith.constant 0 : i32
      %scan3A_66 = arith.constant 8 : i32
      %scan3A_67 = arith.addi %scan3A_65, %scan3A_66 : i32
      %scan3A_68 = arith.constant 1 : i32
      scf.for %scan3A_89 = %scan3A_65 to %scan3A_67 step %scan3A_68  : i32 {
        %mul3A_90 = arith.constant 1 : i32
        %mul3A_91 = arith.muli %scan3A_89, %mul3A_90 : i32
        %add3A_92 = arith.constant 0 : i32
        %add3A_93 = arith.addi %add3A_92, %mul3A_91 : i32
        %mul3A_94 = arith.constant 3107 : i32
        %mul3A_95 = arith.muli %add3A_93, %mul3A_94 : i32
        %mul3A_96 = arith.constant 8 : i32
        %mul3A_97 = arith.muli %add3A_25, %mul3A_96 : i32
        %add3A_98 = arith.addi %mul3A_97, %add3A_93 : i32
        %mul3A_99 = arith.constant 13 : i32
        %mul3A_100 = arith.muli %add3A_98, %mul3A_99 : i32
        %get3A = arith.index_cast %mul3A_100 : i32 to index
        %get3A_101 = tpu.vector_load %arg6[%get3A] {strides = array<i32>} : memref<1680xf32, #tpu.memory_space<vmem>>, vector<16xf32>,
        %get3A_102 = vector.shape_cast %get3A_101 : vector<16xf32> to vector<16xf32>
        %swap3A = arith.index_cast %mul3A_95 : i32 to index
        %swap3A_103 = tpu.vector_load %arg9[%swap3A] {strides = array<i32>} : memref<24872xf32, #tpu.memory_space<vmem>>, vector<16xf32>,
        %swap3A_104 = vector.shape_cast %swap3A_103 : vector<16xf32> to vector<16xf32>
        %swap3A_105 = vector.shape_cast %get3A_102 : vector<16xf32> to vector<16xf32>
        tpu.vector_store %arg9[%swap3A], %swap3A_105 {strides = array<i32>} : memref<24872xf32, #tpu.memory_space<vmem>>, vector<16xf32>,
        %scan3A_106 = arith.constant 0 : i32
        %scan3A_107 = arith.constant 26 : i32
        %scan3A_108 = arith.addi %scan3A_106, %scan3A_107 : i32
        %scan3A_109 = arith.constant 1 : i32
        scf.for %scan3A_111 = %scan3A_106 to %scan3A_108 step %scan3A_109  : i32 {
          %mul3A_112 = arith.constant 1 : i32
          %mul3A_113 = arith.muli %scan3A_111, %mul3A_112 : i32
          %add3A_114 = arith.constant 0 : i32
          %add3A_115 = arith.addi %add3A_114, %mul3A_113 : i32
          %mul3A_116 = arith.constant 26 : i32
          %mul3A_117 = arith.muli %add3A_93, %mul3A_116 : i32
          %add3A_118 = arith.addi %mul3A_117, %add3A_115 : i32
          %jit3A = arith.constant 104 : i32
          %div3A = arith.divsi %add3A_118, %jit3A : i32
          %sign3A = arith.constant 0 : i32
          %sign3A_119 = arith.cmpi sgt, %add3A_118, %sign3A : i32
          %sign3A_120 = arith.extui %sign3A_119 : i1 to i32
          %sign3A_121 = arith.constant 0 : i32
          %sign3A_122 = arith.cmpi slt, %add3A_118, %sign3A_121 : i32
          %sign3A_123 = arith.extui %sign3A_122 : i1 to i32
          %sign3A_124 = arith.subi %sign3A_120, %sign3A_123 : i32
          %sign3A_125 = arith.constant 0 : i32
          %sign3A_126 = arith.cmpi sgt, %jit3A, %sign3A_125 : i32
          %sign3A_127 = arith.extui %sign3A_126 : i1 to i32
          %sign3A_128 = arith.constant 0 : i32
          %sign3A_129 = arith.cmpi slt, %jit3A, %sign3A_128 : i32
          %sign3A_130 = arith.extui %sign3A_129 : i1 to i32
          %sign3A_131 = arith.subi %sign3A_127, %sign3A_130 : i32
          %ne3A = arith.cmpi ne, %sign3A_124, %sign3A_131 : i32
          %rem3A = arith.remsi %add3A_118, %jit3A : i32
          %ne3A_132 = arith.constant 0 : i32
          %ne3A_133 = arith.cmpi ne, %rem3A, %ne3A_132 : i32
          %and3A = arith.andi %ne3A, %ne3A_133 : i1
          %sub3A = arith.constant 1 : i32
          %sub3A_134 = arith.subi %div3A, %sub3A : i32
          %select_n3A = arith.select %and3A, %sub3A_134, %div3A : i32
          %mul3A_135 = arith.constant 128 : i32
          %mul3A_136 = arith.muli %select_n3A, %mul3A_135 : i32
          %jit3A_137 = arith.constant 104 : i32
          %eq3A = arith.constant 0 : i32
          %eq3A_138 = arith.cmpi eq, %jit3A_137, %eq3A : i32
          %jit3A_139 = arith.constant 1 : i32
          %select_n3A_140 = arith.select %eq3A_138, %jit3A_139, %jit3A_137 : i32
          %rem3A_141 = arith.remsi %add3A_118, %select_n3A_140 : i32
          %ne3A_142 = arith.constant 0 : i32
          %ne3A_143 = arith.cmpi ne, %rem3A_141, %ne3A_142 : i32
          %lt3A = arith.constant 0 : i32
          %lt3A_144 = arith.cmpi slt, %rem3A_141, %lt3A : i32
          %lt3A_145 = arith.constant 0 : i32
          %lt3A_146 = arith.cmpi slt, %select_n3A_140, %lt3A_145 : i32
          %ne3A_147 = arith.xori %lt3A_144, %lt3A_146 : i1
          %and3A_148 = arith.andi %ne3A_147, %ne3A_143 : i1
          %add3A_149 = arith.addi %rem3A_141, %select_n3A_140 : i32
          %select_n3A_150 = arith.select %and3A_148, %add3A_149, %rem3A_141 : i32
          %add3A_151 = arith.addi %mul3A_136, %select_n3A_150 : i32
          %add3A_152 = arith.constant 13 : i32
          %add3A_153 = arith.addi %mul3A_95, %add3A_152 : i32
          %mul3A_154 = arith.constant 119 : i32
          %mul3A_155 = arith.muli %add3A_115, %mul3A_154 : i32
          %add3A_156 = arith.addi %add3A_153, %mul3A_155 : i32
          %get3A_157 = arith.index_cast %add3A_151 : i32 to index
          %get3A_158 = arith.constant 0 : index
          %get3A_159 = tpu.vector_load %arg8[%get3A_157, %get3A_158] {strides = array<i32>} : memref<256x120xf32, #tpu.memory_space<vmem>>, vector<1x16xf32>,
          %get3A_160 = vector.shape_cast %get3A_159 : vector<1x16xf32> to vector<16xf32>
          %add3A_161 = arith.constant 0 : i32
          %add3A_162 = arith.addi %add3A_156, %add3A_161 : i32
          %swap3A_163 = arith.index_cast %add3A_162 : i32 to index
          %swap3A_164 = tpu.vector_load %arg9[%swap3A_163] {strides = array<i32>} : memref<24872xf32, #tpu.memory_space<vmem>>, vector<16xf32>,
          %swap3A_165 = vector.shape_cast %swap3A_164 : vector<16xf32> to vector<16xf32>
          %swap3A_166 = vector.shape_cast %get3A_160 : vector<16xf32> to vector<16xf32>
          tpu.vector_store %arg9[%swap3A_163], %swap3A_166 {strides = array<i32>} : memref<24872xf32, #tpu.memory_space<vmem>>, vector<16xf32>,
          %get3A_167 = arith.index_cast %add3A_151 : i32 to index
          %get3A_168 = arith.constant 16 : index
          %get3A_169 = tpu.vector_load %arg8[%get3A_167, %get3A_168] {strides = array<i32>} : memref<256x120xf32, #tpu.memory_space<vmem>>, vector<1x16xf32>,
          %get3A_170 = vector.shape_cast %get3A_169 : vector<1x16xf32> to vector<16xf32>
          %add3A_171 = arith.constant 16 : i32
          %add3A_172 = arith.addi %add3A_156, %add3A_171 : i32
          %swap3A_173 = arith.index_cast %add3A_172 : i32 to index
          %swap3A_174 = tpu.vector_load %arg9[%swap3A_173] {strides = array<i32>} : memref<24872xf32, #tpu.memory_space<vmem>>, vector<16xf32>,
          %swap3A_175 = vector.shape_cast %swap3A_174 : vector<16xf32> to vector<16xf32>
          %swap3A_176 = vector.shape_cast %get3A_170 : vector<16xf32> to vector<16xf32>
          tpu.vector_store %arg9[%swap3A_173], %swap3A_176 {strides = array<i32>} : memref<24872xf32, #tpu.memory_space<vmem>>, vector<16xf32>,
          %get3A_177 = arith.index_cast %add3A_151 : i32 to index
          %get3A_178 = arith.constant 32 : index
          %get3A_179 = tpu.vector_load %arg8[%get3A_177, %get3A_178] {strides = array<i32>} : memref<256x120xf32, #tpu.memory_space<vmem>>, vector<1x16xf32>,
          %get3A_180 = vector.shape_cast %get3A_179 : vector<1x16xf32> to vector<16xf32>
          %add3A_181 = arith.constant 32 : i32
          %add3A_182 = arith.addi %add3A_156, %add3A_181 : i32
          %swap3A_183 = arith.index_cast %add3A_182 : i32 to index
          %swap3A_184 = tpu.vector_load %arg9[%swap3A_183] {strides = array<i32>} : memref<24872xf32, #tpu.memory_space<vmem>>, vector<16xf32>,
          %swap3A_185 = vector.shape_cast %swap3A_184 : vector<16xf32> to vector<16xf32>
          %swap3A_186 = vector.shape_cast %get3A_180 : vector<16xf32> to vector<16xf32>
          tpu.vector_store %arg9[%swap3A_183], %swap3A_186 {strides = array<i32>} : memref<24872xf32, #tpu.memory_space<vmem>>, vector<16xf32>,
          %get3A_187 = arith.index_cast %add3A_151 : i32 to index
          %get3A_188 = arith.constant 48 : index
          %get3A_189 = tpu.vector_load %arg8[%get3A_187, %get3A_188] {strides = array<i32>} : memref<256x120xf32, #tpu.memory_space<vmem>>, vector<1x16xf32>,
          %get3A_190 = vector.shape_cast %get3A_189 : vector<1x16xf32> to vector<16xf32>
          %add3A_191 = arith.constant 48 : i32
          %add3A_192 = arith.addi %add3A_156, %add3A_191 : i32
          %swap3A_193 = arith.index_cast %add3A_192 : i32 to index
          %swap3A_194 = tpu.vector_load %arg9[%swap3A_193] {strides = array<i32>} : memref<24872xf32, #tpu.memory_space<vmem>>, vector<16xf32>,
          %swap3A_195 = vector.shape_cast %swap3A_194 : vector<16xf32> to vector<16xf32>
          %swap3A_196 = vector.shape_cast %get3A_190 : vector<16xf32> to vector<16xf32>
          tpu.vector_store %arg9[%swap3A_193], %swap3A_196 {strides = array<i32>} : memref<24872xf32, #tpu.memory_space<vmem>>, vector<16xf32>,
          %get3A_197 = arith.index_cast %add3A_151 : i32 to index
          %get3A_198 = arith.constant 64 : index
          %get3A_199 = tpu.vector_load %arg8[%get3A_197, %get3A_198] {strides = array<i32>} : memref<256x120xf32, #tpu.memory_space<vmem>>, vector<1x16xf32>,
          %get3A_200 = vector.shape_cast %get3A_199 : vector<1x16xf32> to vector<16xf32>
          %add3A_201 = arith.constant 64 : i32
          %add3A_202 = arith.addi %add3A_156, %add3A_201 : i32
          %swap3A_203 = arith.index_cast %add3A_202 : i32 to index
          %swap3A_204 = tpu.vector_load %arg9[%swap3A_203] {strides = array<i32>} : memref<24872xf32, #tpu.memory_space<vmem>>, vector<16xf32>,
          %swap3A_205 = vector.shape_cast %swap3A_204 : vector<16xf32> to vector<16xf32>
          %swap3A_206 = vector.shape_cast %get3A_200 : vector<16xf32> to vector<16xf32>
          tpu.vector_store %arg9[%swap3A_203], %swap3A_206 {strides = array<i32>} : memref<24872xf32, #tpu.memory_space<vmem>>, vector<16xf32>,
          %get3A_207 = arith.index_cast %add3A_151 : i32 to index
          %get3A_208 = arith.constant 80 : index
          %get3A_209 = tpu.vector_load %arg8[%get3A_207, %get3A_208] {strides = array<i32>} : memref<256x120xf32, #tpu.memory_space<vmem>>, vector<1x16xf32>,
          %get3A_210 = vector.shape_cast %get3A_209 : vector<1x16xf32> to vector<16xf32>
          %add3A_211 = arith.constant 80 : i32
          %add3A_212 = arith.addi %add3A_156, %add3A_211 : i32
          %swap3A_213 = arith.index_cast %add3A_212 : i32 to index
          %swap3A_214 = tpu.vector_load %arg9[%swap3A_213] {strides = array<i32>} : memref<24872xf32, #tpu.memory_space<vmem>>, vector<16xf32>,
          %swap3A_215 = vector.shape_cast %swap3A_214 : vector<16xf32> to vector<16xf32>
          %swap3A_216 = vector.shape_cast %get3A_210 : vector<16xf32> to vector<16xf32>
          tpu.vector_store %arg9[%swap3A_213], %swap3A_216 {strides = array<i32>} : memref<24872xf32, #tpu.memory_space<vmem>>, vector<16xf32>,
          %get3A_217 = arith.index_cast %add3A_151 : i32 to index
          %get3A_218 = arith.constant 96 : index
          %get3A_219 = tpu.vector_load %arg8[%get3A_217, %get3A_218] {strides = array<i32>} : memref<256x120xf32, #tpu.memory_space<vmem>>, vector<1x16xf32>,
          %get3A_220 = vector.shape_cast %get3A_219 : vector<1x16xf32> to vector<16xf32>
          %add3A_221 = arith.constant 96 : i32
          %add3A_222 = arith.addi %add3A_156, %add3A_221 : i32
          %swap3A_223 = arith.index_cast %add3A_222 : i32 to index
          %swap3A_224 = tpu.vector_load %arg9[%swap3A_223] {strides = array<i32>} : memref<24872xf32, #tpu.memory_space<vmem>>, vector<16xf32>,
          %swap3A_225 = vector.shape_cast %swap3A_224 : vector<16xf32> to vector<16xf32>
          %swap3A_226 = vector.shape_cast %get3A_220 : vector<16xf32> to vector<16xf32>
          tpu.vector_store %arg9[%swap3A_223], %swap3A_226 {strides = array<i32>} : memref<24872xf32, #tpu.memory_space<vmem>>, vector<16xf32>,
          %get3A_227 = arith.index_cast %add3A_151 : i32 to index
          %get3A_228 = arith.constant 103 : index
          %get3A_229 = tpu.vector_load %arg8[%get3A_227, %get3A_228] {strides = array<i32>} : memref<256x120xf32, #tpu.memory_space<vmem>>, vector<1x16xf32>,
          %get3A_230 = vector.shape_cast %get3A_229 : vector<1x16xf32> to vector<16xf32>
          %add3A_231 = arith.constant 119 : i32
          %add3A_232 = arith.addi %add3A_156, %add3A_231 : i32
          %sub3A_233 = arith.constant 16 : i32
          %sub3A_234 = arith.subi %add3A_232, %sub3A_233 : i32
          %swap3A_235 = arith.index_cast %sub3A_234 : i32 to index
          %swap3A_236 = tpu.vector_load %arg9[%swap3A_235] {strides = array<i32>} : memref<24872xf32, #tpu.memory_space<vmem>>, vector<16xf32>,
          %swap3A_237 = vector.shape_cast %swap3A_236 : vector<16xf32> to vector<16xf32>
          %swap3A_238 = vector.shape_cast %get3A_230 : vector<16xf32> to vector<16xf32>
          tpu.vector_store %arg9[%swap3A_235], %swap3A_238 {strides = array<i32>} : memref<24872xf32, #tpu.memory_space<vmem>>, vector<16xf32>,
        }
        %scan3A_110 = arith.constant 26 : i32
      }
      %scan3A_69 = arith.constant 8 : i32
      %mul3A_70 = arith.constant 8 : i32
      %mul3A_71 = arith.muli %add3A_25, %mul3A_70 : i32
      %add3A_72 = arith.addi %mul3A_2, %mul3A_71 : i32
      %mul3A_73 = arith.constant 3107 : i32
      %mul3A_74 = arith.muli %add3A_72, %mul3A_73 : i32
      %dma_start3A_75 = arith.constant 0 : i32
      %dma_start3A_76 = tpu.memref_slice %arg9[%dma_start3A_75] : memref<24872xf32, #tpu.memory_space<vmem>> -> memref<24856xf32, #tpu.memory_space<vmem>>
      %dma_start3A_77 = tpu.memref_slice %arg5[%mul3A_74] : memref<12726272xf32, #tpu.memory_space<hbm>> -> memref<24856xf32, #tpu.memory_space<hbm>>
      %dma_start3A_78 = tpu.memref_slice %arg5[%mul3A_74] : memref<12726272xf32, #tpu.memory_space<hbm>> -> memref<24856xf32, #tpu.memory_space<hbm>>
      %dma_start3A_79 = arith.constant 0 : i32
      %dma_start3A_80 = tpu.memref_slice %arg9[%dma_start3A_79] : memref<24872xf32, #tpu.memory_space<vmem>> -> memref<24856xf32, #tpu.memory_space<vmem>>
      tpu.enqueue_dma source(%dma_start3A_80 : memref<24856xf32, #tpu.memory_space<vmem>>) target(%dma_start3A_78 : memref<24856xf32, #tpu.memory_space<hbm>>) target_semaphore(%arg11 : memref<!tpu.dma_semaphore, #tpu.memory_space<semaphore_mem>>)
      %mul3A_81 = arith.constant 3107 : i32
      %mul3A_82 = arith.muli %mul3A_2, %mul3A_81 : i32
      %dma_wait3A_83 = arith.constant 0 : i32
      %dma_wait3A_84 = tpu.memref_slice %arg9[%dma_wait3A_83] : memref<24872xf32, #tpu.memory_space<vmem>> -> memref<24856xf32, #tpu.memory_space<vmem>>
      %dma_wait3A_85 = tpu.memref_slice %arg5[%mul3A_82] : memref<12726272xf32, #tpu.memory_space<hbm>> -> memref<24856xf32, #tpu.memory_space<hbm>>
      %dma_wait3A_86 = tpu.memref_slice %arg5[%mul3A_82] : memref<12726272xf32, #tpu.memory_space<hbm>> -> memref<24856xf32, #tpu.memory_space<hbm>>
      %dma_wait3A_87 = arith.constant 0 : i32
      %dma_wait3A_88 = tpu.memref_slice %arg9[%dma_wait3A_87] : memref<24872xf32, #tpu.memory_space<vmem>> -> memref<24856xf32, #tpu.memory_space<vmem>>
      tpu.wait_dma2 semaphore(%arg11 : memref<!tpu.dma_semaphore, #tpu.memory_space<semaphore_mem>>) src(%dma_wait3A_88 : memref<24856xf32, #tpu.memory_space<vmem>>) dst(%dma_wait3A_86 : memref<24856xf32, #tpu.memory_space<hbm>>)
    }
    %scan3A_20 = arith.constant 16 : i32
    return
  }
}

</mosaic_0001>

<sc_bundles>
// kernel: kernel.3.cloned.1.call-start
scs
__scs_entry_jumppad:
0x0: {  	(pc) =	sbr.rel $0x88, $3  }
0x1: {  	(tag) =	ssettag $0x0;
	lr =	simm.s32 $0x1  }
0x2: {  	[smem:$0x3F9E] =	sst lr;
	_ =	strace $0xD0000000  }
0x3: {  	_ = 	snop  }
0x4: {  	_ = 	snop  }
0x5: {  	_ = 	snop  }
0x6: {  	_ = 	snop  }
0x7: {  	_ = 	snop  }
__scs_overlays_trampoline_lowered:
0x8: {  	[smem:$0x3FAD] =	sst s0  }
0x9: {  	[smem:$0x3FAE] =	sst s1  }
0xa: {  	[smem:$0x3FAF] =	sst s2  }
0xb: {  	[smem:$0x3FB0] =	sst s3  }
0xc: {  	[smem:$0x3FB1] =	sst s4  }
0xd: {  	[smem:$0x3FB2] =	sst s5  }
0xe: {  	[smem:$0x3FB3] =	sst s6  }
0xf: {  	[smem:$0x3FB4] =	sst s7  }
0x10: {  	[smem:$0x3FB5] =	sst s8  }
0x11: {  	[smem:$0x3FB6] =	sst s9;
	s0 =	simm.s32 @!p0 $0x0  }
0x12: {  	s1 =	sld [smem:$0x3F9C];
	s0 =	simm.s32 @p0 $0x1  }
0x13: {  	[smem:$0x3FB7] =	sst s0;
	s0 =	simm.s32 @!p1 $0x0  }
0x14: {  	s2 =	sld [smem:$0x3F9B];
	s0 =	simm.s32 @p1 $0x1  }
0x15: {  	[smem:$0x3FB8] =	sst s0;
	s0 =	simm.s32 @!p2 $0x0  }
0x16: {  	s3 =	sld [smem:$0x3FDB];
	s0 =	simm.s32 @p2 $0x1  }
0x17: {  	s4 =	simm.s32 $0x1BF5;
	[smem:$0x3FBA] =	sst s0  }
0x18: {  	s0 =	sld [smem:$0x3F9D];
	_ =	swait.ge [sflag:s4], $0x0  }
0x19: {  	s7 =	sld [smem:$0x3F9E]  }
0x1a: {  	s8 =	sadd.s32 $0xFFFFE003, lr  }
0x1b: {  	s9 =	sadd.s32 $0xFFFFFEF7, lr;
	s5 =	simm.s32 $0xFFFFFFFF;
	p2 =	slt.u32 s8, $0xFFFFF086  }
0x1c: {  	p1 =	slt.u32 s9, $0xF7A;
	s5 =	simm.s32 @!p2 $0x0  }
0x1d: {  	s5 =	simm.s32 @p1 $0x1;
	p0 =	seq.s32 s7, s2  }
0x1e: {  	s7 =	smul.u32 @!p0 $0xF7A, s2;
	p2 =	seq.s32 @!p0 s5, $0x0  }
0x1f: {  	s9 =	smul.u32 $0xF7A, s1;
	s8 =	simm.s32 @!p0 $0x1BF5;
	p2 =	por !p2, p0  }
0x20: {  	[sflag:s8] =	ssyncset.s32 @!p0 $0xFFFFF086;
	s6 =	sadd.s32 @!p0 s3, s7;
	s7 =	simm.s32 @!p0 $0x108  }
0x21: {  	s3 =	sadd.s32 s3, s9;
	s6 =	sadd.s32 @!p0 $0x88, s6;
	s7 =	simm.s32 @p2 $0x1082  }
0x22: {  	[simem:s7], [sflag:s8] =	dma.local @!p0 [hbm:s6], $0xF7A  }
0x23: {  	s9 =	sor.u32 $0xD0000000, s2;
	s6 =	simm.s32 $0x108;
	_ =	swait.ge @!p0 [sflag:s8], $0x0  }
0x24: {  	s3 =	sadd.s32 $0x88, s3;
	s6 =	simm.s32 @!p1 $0x1082;
	[sflag:s4] =	ssyncset.s32 $0xFFFFF086  }
0x25: {  	[simem:s6], [sflag:s4] =	dma.local [hbm:s3], $0xF7A  }
0x26: {  	[smem:$0x3F9E] =	sst s1;
	(tag) =	ssettag s2;
	_ =	strace s9  }
0x27: {  	s1 =	sld [smem:$0x3FAE]  }
0x28: {  	s2 =	sld [smem:$0x3FAF]  }
0x29: {  	s4 =	sld [smem:$0x3FB1]  }
0x2a: {  	p0 =	seq.s32 s5, $0x0;
	s5 =	sld [smem:$0x3FB2]  }
0x2b: {  	s6 =	sld [smem:$0x3FB3]  }
0x2c: {  	s7 =	sld [smem:$0x3FB4]  }
0x2d: {  	s3 =	simm.s32 $0x108;
	s8 =	sld [smem:$0x3FB5]  }
0x2e: {  	s3 =	simm.s32 @!p0 $0x1082;
	s9 =	sld [smem:$0x3FB6]  }
0x2f: {  	lr =	sadd.s32 s0, s3;
	s0 =	sld [smem:$0x3FAD]  }
0x30: {  	s3 =	sld [smem:$0x3FB0]  }
0x31: {  	[smem:$0x3FB9] =	sst s10  }
0x32: {  	s10 =	sld [smem:$0x3FB7];
	_ =	sdelay $0x3  }
0x33: {  	p0 =	seq.s32 s10, $0x1;
	s10 =	sld [smem:$0x3FB9];
	_ =	sdelay $0x3  }
0x34: {  	[smem:$0x3FB9] =	sst s10  }
0x35: {  	s10 =	sld [smem:$0x3FB8];
	_ =	sdelay $0x3  }
0x36: {  	p1 =	seq.s32 s10, $0x1;
	s10 =	sld [smem:$0x3FB9];
	_ =	sdelay $0x3  }
0x37: {  	[smem:$0x3FB9] =	sst s10  }
0x38: {  	s10 =	sld [smem:$0x3FBA]  }
0x39: {  	_ = 	snop;
	(pc) =	sbr.ind lr, $3  }
0x3a: {  	_ = 	snop  }
0x3b: {  	_ = 	snop  }
0x3c: {  	p2 =	seq.s32 s10, $0x1;
	s10 =	sld [smem:$0x3FB9]  }
0x3d: {  	_ =	shalt  }
0x3e: {  	_ =	shalt  }
0x3f: {  	_ =	shalt  }
0x40: {  	_ =	shalt  }
0x41: {  	_ =	shalt  }
0x42: {  	_ =	shalt  }
0x43: {  	_ =	shalt  }
0x44: {  	_ =	shalt  }
0x45: {  	_ =	shalt  }
0x46: {  	_ =	shalt  }
0x47: {  	_ =	shalt  }
0x48: {  	_ =	shalt  }
0x49: {  	_ =	shalt  }
0x4a: {  	_ =	shalt  }
0x4b: {  	_ =	shalt  }
0x4c: {  	_ =	shalt  }
0x4d: {  	_ =	shalt  }
0x4e: {  	_ =	shalt  }
0x4f: {  	_ =	shalt  }
0x50: {  	_ =	shalt  }
0x51: {  	_ =	shalt  }
0x52: {  	_ =	shalt  }
0x53: {  	_ =	shalt  }
0x54: {  	_ =	shalt  }
0x55: {  	_ =	shalt  }
0x56: {  	_ =	shalt  }
0x57: {  	_ =	shalt  }
0x58: {  	_ =	shalt  }
0x59: {  	_ =	shalt  }
0x5a: {  	_ =	shalt  }
0x5b: {  	_ =	shalt  }
0x5c: {  	_ =	shalt  }
0x5d: {  	_ =	shalt  }
0x5e: {  	_ =	shalt  }
0x5f: {  	_ =	shalt  }
0x60: {  	_ =	shalt  }
0x61: {  	_ =	shalt  }
0x62: {  	_ =	shalt  }
0x63: {  	_ =	shalt  }
0x64: {  	_ =	shalt  }
0x65: {  	_ =	shalt  }
0x66: {  	_ =	shalt  }
0x67: {  	_ =	shalt  }
0x68: {  	_ =	shalt  }
0x69: {  	_ =	shalt  }
0x6a: {  	_ =	shalt  }
0x6b: {  	_ =	shalt  }
0x6c: {  	_ =	shalt  }
0x6d: {  	_ =	shalt  }
0x6e: {  	_ =	shalt  }
0x6f: {  	_ =	shalt  }
0x70: {  	_ =	shalt  }
0x71: {  	_ =	shalt  }
0x72: {  	_ =	shalt  }
0x73: {  	_ =	shalt  }
0x74: {  	_ =	shalt  }
0x75: {  	_ =	shalt  }
0x76: {  	_ =	shalt  }
0x77: {  	_ =	shalt  }
0x78: {  	_ =	shalt  }
0x79: {  	_ =	shalt  }
0x7a: {  	_ =	shalt  }
0x7b: {  	_ =	shalt  }
0x7c: {  	_ =	shalt  }
0x7d: {  	_ =	shalt  }
0x7e: {  	_ =	shalt  }
0x7f: {  	_ =	shalt  }
0x80: {  	_ =	shalt  }
0x81: {  	_ =	shalt  }
0x82: {  	_ =	shalt  }
0x83: {  	_ =	shalt  }
0x84: {  	_ =	shalt  }
0x85: {  	_ =	shalt  }
0x86: {  	_ =	shalt  }
0x87: {  	_ =	shalt  }
.Lfunc_end0:
.L_simem_size_0:
called_computation.1_lowered:
.L_overlay_start_0:
0x88: {  	s2 =	sld [smem:$0x3FD9]  }
0x89: {  	s3 =	sld [smem:$0x3FFE];
	_ =	sdelay $0x1  }
0x8a: {  	s1 =	srdreg.scid  }
0x8b: {  	s0 =	sand.u32 $0x1, s1  }
0x8c: {  	s17 =	sshll.u32 s0, $0xA;
	s2 =	sadd.s32 s3, s2  }
0x8d: {  	s2 =	sadd.s32 s2, s17  }
0x8e: {  	[smem:$0x3FC5] =	sst s2  }
0x8f: {  	_ = 	snop  }
0x90: {  	s2 =	sld [smem:$0x3FD0];
	(tm) =	ssettm $0x1  }
0x91: {  	s18 =	sld [smem:$0x3FFB];
	_ =	sdelay $0x3  }
0x92: {  	_ =	strace s18  }
0x93: {  	s3 =	sld [smem:$0x3FFC];
	_ =	sdelay $0x3  }
0x94: {  	_ =	strace s3  }
0x95: {  	s3 =	sld [smem:$0x3FFD];
	_ =	sdelay $0x3  }
0x96: {  	_ =	strace s3  }
0x97: {  	_ =	strace $0x8FFFFFFF  }
0x98: {  	s19 =	sld [smem:$0x3FDB];
	_ =	sdelay $0x1  }
0x99: {  	s4 =	simm.s32 $_scs_section_size  }
0x9a: {  	s5 =	simm.s32 $_size__tile_overlayer_lowered;
	s6 =	simm.s32 $_tile_overlayer_lowered  }
0x9b: {  	s22 =	simm.s32 $0x1BFF;
	s21 =	sshll.u32 s6, $0x1;
	s3 =	sadd.s32 s4, s19  }
0x9c: {  	s7 =	simm.s32 $0x0;
	s20 =	sshll.u32 s5, $0x1;
	s5 =	sadd.s32 s21, s3  }
0x9d: {  	[timem:s7], [sflag:s22] =	dma.local [hbm:s5], s20  }
0x9e: {  	_ =	swait.ge [sflag:s22], s20  }
0x9f: {  	s4 =	ssub.s32 $0x0, s20;
	[sflag:s22] =	ssyncset.done $0x0  }
0xa0: {  	[sflag:s22] =	ssyncadd.s32 s4;
	_ =	sdelay $0x1  }
0xa1: {  	s23 =	simm.s32 $0x1B8B  }
0xa2: {  	_ =	swait.ge [sflag:s23], $0x1  }
0xa3: {  	[sflag:s23] =	ssyncset.done $0x0  }
0xa4: {  	s25 =	simm.s32 $0x1B8E;
	s24 =	sld [smem:$0x3FFE];
	[sflag:s23] =	ssyncadd.s32 $0xFFFFFFFF  }
0xa5: {  	s26 =	simm.s32 $execute0_lowered;
	[smem:$0x3FD2] =	sst s25  }
0xa6: {  	s5 =	sshll.u32 s26, $0x1;
	_ =	strace $0x80000046;
	[dreg:$0x1] =	wrdreg $0xFFFFFFFF  }
0xa7: {  	s28 =	simm.s32 $_size_execute0_lowered;
	s3 =	sadd.s32 s3, s5;
	[dreg:$0x0] =	wrdreg $0x0  }
0xa8: {  	s5 =	sshll.u32 s28, $0x1;
	[dreg:$0x2] =	wrdreg s3  }
0xa9: {  	[dreg:$0x3] =	wrdreg s5  }
0xaa: {  	[dreg:$0x4] =	wrdreg $0xC0  }
0xab: {  	_ =	task [dreg:s7], $0x5FFFF  }
0xac: {  	[dreg:$0x1] =	wrdreg $0xFFFFFFFF  }
0xad: {  	[dreg:$0x0] =	wrdreg $0x60  }
0xae: {  	[dreg:$0x2] =	wrdreg s24  }
0xaf: {  	[dreg:$0x3] =	wrdreg s2  }
0xb0: {  	[dreg:$0x4] =	wrdreg $0x9  }
0xb1: {  	_ =	task.clear_ibuf [dreg:s7], $0x5FFFF;
	_ =	strace $0x90000046  }
0xb2: {  	s29 =	simm.s32 $0x9;
	_ =	strace $0x80000048  }
0xb3: {  	_ =	swait.ge [sflag:s29], $0x1  }
0xb4: {  	[sflag:s29] =	ssyncadd.s32 $0xFFFFFFFF  }
0xb5: {  	_ =	strace $0x90000048  }
0xb6: {  	_ =	sfence  }
0xb7: {  	s30 =	sld [smem:$0x0];
	_ =	sdelay $0x2  }
0xb8: {  	s31 =	sshll.u32 s1, $0xD;
	s1 =	sshrl.u32 s1, $0x2  }
0xb9: {  	s3 =	sand.u32 $0x4000, s31;
	s1 =	sadd.s32 s1, s30  }
0xba: {  	s0 =	sor.u32 s3, s0;
	s1 =	sshll.u32 s1, $0x11  }
0xbb: {  	s0 =	sor.u32 s1, s0  }
0xbc: {  	s0 =	sadd.s32 $0x8F2B, s0  }
0xbd: {  	[sflag:s0] =	ssyncadd.remote.s32 $0x1  }
0xbe: {  	_ =	sfence.sel $0xFFFF  }
0xbf: {  	[dreg:$0x0] =	wrdreg $0xFFFFFFFF;
	(pc) =	sbr.abs _section_cstart, $3  }
0xc0: {  	[dreg:$0x1] =	wrdreg $0xFFFFFFFF  }
0xc1: {  	_ =	task.clear_ibuf [dreg:s7], $0x2FFFF;
	_ =	strace $0x9FFFFFFF  }
0xc2: {  	(tm) =	ssettm $0x7FFFFFFF  }
0xc3: {  	_ =	shalt  }
tec
execute0_lowered:
.L_overlay_start_1:
0x0: {  	(tag) =	ssettag $0x1  }
0x1: {  	s0 =	rddreg [dreg:$0x0]  }
0x2: {  	s1 =	srdreg.scid;
	s3 =	stileid.u32  }
0x3: {  	s2 =	rddreg [dreg:$0x1];
	s9 =	simm.s32 $0x3;
	s10 =	simm.s32 $0x690  }
0x4: {  	s11 =	simm.s32 $0x4;
	s12 =	simm.s32 $0x80;
	s13 =	simm.s32 $0x710  }
0x5: {  	s14 =	simm.s32 $0x4390;
	s15 =	simm.s32 $0x1;
	s16 =	simm.s32 $0x7F90  }
0x6: {  	s17 =	simm.s32 $0x2;
	s1 =	sand.u32 $0x1, s1;
	s4 =	sshll.u32 s3, $0x1  }
0x7: {  	s18 =	simm.s32 $0x0;
	s3 =	simm.s32 $0x0;
	s5 =	sor.u32 s1, s4  }
0x8: {  	[smem:$0x7FF] =	sst s3;
	s1 =	ssub.s32 $0x2, s1;
	s4 =	smul.u32 $0xD0, s5  }
0x9: {  	_ =	strace $0x80000047;
	s29 =	sshll.u32 s5, $0x9;
	s30 =	sshrl.u32 s1, $0x1  }
0xa: {  	s5 =	sshll.u32 s5, $0x7;
	s7 =	sadd.s32 s29, s0;
	s6 =	sadd.s32 s4, s0  }
0xb: {  	s4 =	sadd.s32 $0xE00, s0;
	s0 =	ssub.s32 s1, s30;
	s31 =	sadd.s32 $0x2532600, s6  }
0xc: {  	s7 =	sadd.s32 $0x2534000, s7;
	s8 =	smax.u32 s0, $0x1;
	[dreg:$0x3] =	wrdreg s31  }
.LBB2_1:
0xd: {  	s0 =	rddreg [dreg:$0x3]  }
0xe: {  	[tilespmem:s3], [sflag:$0x3] =	stream.linear.gather [hbm4b:s0+s3], $0x680, $0x38;
	[tilespmem:$0xE0B8] =	vst v63  }
0xf: {  	_ =	swait.ge [sflag:s9], $0x680  }
0x10: {  	[sflag:s9] =	ssyncset.done $0x0  }
0x11: {  	s19 =	simm.s32 $0x0;
	[sflag:s9] =	ssyncadd.s32 $0xFFFFF980  }
.LBB2_2:
0x12: {  	s0 =	sshll.u32 s19, $0x5  }
0x13: {  	s20 =	simm.s32 $0x0;
	s0 =	sadd.s32 s0, s7  }
0x14: {  	[tilespmem:s10], [sflag:$0x4] =	stream.linear.gather [hbm4b:s0+s20], $0x100, $0x38;
	[tilespmem:$0xE0B8] =	vst v63  }
0x15: {  	_ =	swait.ge [sflag:s11], $0x100  }
0x16: {  	[sflag:s11] =	ssyncset.done $0x0  }
0x17: {  	s21 =	simm.s32 $0x790;
	[sflag:s11] =	ssyncadd.s32 $0xFFFFFF00  }
0x18: {  	[tilespmem:s21], [sflag:$0x1] =	stream.indirect.gather [hbm4b:s4+s12], $0x78, s10, s12, $0xb8;
	[tilespmem:$0xE0B8] =	vst v63  }
0x19: {  	_ = 	snop  }
0x1a: {  	[tilespmem:s14], [sflag:$0x1] =	stream.indirect.gather [hbm4b:s4+s12], $0x78, s13, s12, $0xb8;
	[tilespmem:$0xE0B8] =	vst v63  }
0x1b: {  	_ =	swait.ge [sflag:s15], $0x3C00  }
0x1c: {  	[sflag:s15] =	ssyncset.done $0x0  }
0x1d: {  	[sflag:s15] =	ssyncadd.s32 $0xFFFFC400  }
0x1e: {  	_ =	swait.ge [sflag:s15], $0x3C00  }
0x1f: {  	s22 =	sshll.u32 s19, $0x3;
	s23 =	simm.s32 $0xD;
	[sflag:s15] =	ssyncset.done $0x0  }
0x20: {  	s24 =	simm.s32 $0x8004;
	s25 =	simm.s32 $0x0;
	[sflag:s15] =	ssyncadd.s32 $0xFFFFC400  }
.LBB2_3:
0x21: {  	s0 =	sadd.s32 s22, s25  }
0x22: {  	s0 =	smul.u32 $0x34, s0;
	_ =	sdelay $0x1  }
0x23: {  	s1 =	smulhi.u32 $0x4EC4EC4F, s20;
	s0 =	sshra.s32 s0, $0x2  }
0x24: {  	v0 =	vld [tilespmem:s0+$0x0]  }
0x25: {  	s6 =	sshrl.u32 s1, $0x5  }
0x26: {  	s0 =	smul.u32 $0x2D00, s6  }
0x27: {  	s26 =	smul.u32 $0xC23, s25  }
0x28: {  	s0 =	sshra.s32 s0, $0x2  }
0x29: {  	[tilespmem:s26+$0x7F90] =	vst v0;
	s26 =	sadd.s32 s0, s21  }
0x2a: {  	v0 =	vld [tilespmem:s26+$0x0];
	_ =	sdelay $0x4  }
0x2b: {  	[tilespmem:s24+$0xFFFFFF99] =	vst v0  }
0x2c: {  	v0 =	vld [tilespmem:s26+$0x10];
	_ =	sdelay $0x3  }
0x2d: {  	s28 =	sand.u32 $0x1FFFF, s23  }
0x2e: {  	[tilespmem:s28+$0x7FA0] =	vst v0  }
0x2f: {  	v0 =	vld [tilespmem:s26+$0x20];
	_ =	sdelay $0x4  }
0x30: {  	[tilespmem:s28+$0x7FB0] =	vst v0  }
0x31: {  	v0 =	vld [tilespmem:s26+$0x30];
	_ =	sdelay $0x4  }
0x32: {  	[tilespmem:s28+$0x7FC0] =	vst v0  }
0x33: {  	v0 =	vld [tilespmem:s26+$0x40];
	_ =	sdelay $0x4  }
0x34: {  	[tilespmem:s28+$0x7FD0] =	vst v0  }
0x35: {  	v0 =	vld [tilespmem:s26+$0x50];
	_ =	sdelay $0x4  }
0x36: {  	[tilespmem:s28+$0x7FE0] =	vst v0  }
0x37: {  	v0 =	vld [tilespmem:s26+$0x60];
	_ =	sdelay $0x3  }
0x38: {  	s31 =	sadd.s32 $0x1, s20;
	s30 =	smov.u32 s21;
	s29 =	smov.u32 s24  }
0x39: {  	s1 =	simm.s32 $0x2;
	s0 =	smulhi.u32 $0x4EC4EC4F, s31;
	[tilespmem:s28+$0x7FF0] =	vst v0;
	s28 =	smov.u32 s23  }
.LBB2_4:
0x3a: {  	p0 =	sne.s32 s1, $0x19;
	v0 =	vld [tilespmem:s26+$0x67]  }
0x3b: {  	s0 =	sshrl.u32 s0, $0x5  }
0x3c: {  	s0 =	smul.u32 $0x2D00, s0;
	_ =	sdelay $0x1  }
0x3d: {  	s30 =	sadd.s32 $0x78, s30;
	s0 =	sshra.s32 s0, $0x2  }
0x3e: {  	s26 =	sadd.s32 s0, s30;
	[tilespmem:s29+$0x0] =	vst v0  }
0x3f: {  	v0 =	vld [tilespmem:s26+$0x0];
	_ =	sdelay $0x3  }
0x40: {  	s29 =	sadd.s32 $0x77, s29  }
0x41: {  	[tilespmem:s29+$0xFFFFFF99] =	vst v0  }
0x42: {  	v0 =	vld [tilespmem:s26+$0x10];
	_ =	sdelay $0x2  }
0x43: {  	s28 =	sadd.s32 $0x77, s28  }
0x44: {  	s6 =	sand.u32 $0x1FFFF, s28  }
0x45: {  	[tilespmem:s6+$0x7FA0] =	vst v0  }
0x46: {  	v0 =	vld [tilespmem:s26+$0x20];
	_ =	sdelay $0x4  }
0x47: {  	[tilespmem:s6+$0x7FB0] =	vst v0  }
0x48: {  	v0 =	vld [tilespmem:s26+$0x30];
	_ =	sdelay $0x4  }
0x49: {  	[tilespmem:s6+$0x7FC0] =	vst v0  }
0x4a: {  	v0 =	vld [tilespmem:s26+$0x40];
	_ =	sdelay $0x4  }
0x4b: {  	[tilespmem:s6+$0x7FD0] =	vst v0  }
0x4c: {  	v0 =	vld [tilespmem:s26+$0x50];
	_ =	sdelay $0x4  }
0x4d: {  	[tilespmem:s6+$0x7FE0] =	vst v0  }
0x4e: {  	v0 =	vld [tilespmem:s26+$0x60]  }
.Ltmp0:
0x4f: {  	(pc) =	sbr.rel @p0 .LBB2_4-.Ltmp0, $3  }
0x50: {  	_ =	sdelay $0x1  }
0x51: {  	s31 =	sadd.s32 $0x1, s31  }
0x52: {  	s1 =	sadd.s32 $0x1, s1;
	s0 =	smulhi.u32 $0x4EC4EC4F, s31;
	[tilespmem:s6+$0x7FF0] =	vst v0  }
0x53: {  	v0 =	vld [tilespmem:s26+$0x67]  }
0x54: {  	s0 =	sshrl.u32 s0, $0x5  }
0x55: {  	s0 =	smul.u32 $0x2D00, s0;
	_ =	sdelay $0x1  }
0x56: {  	s1 =	sadd.s32 $0x78, s30;
	s0 =	sshra.s32 s0, $0x2  }
0x57: {  	s0 =	sadd.s32 s0, s1;
	[tilespmem:s29+$0x0] =	vst v0  }
0x58: {  	v0 =	vld [tilespmem:s0+$0x0];
	_ =	sdelay $0x3  }
0x59: {  	s31 =	sadd.s32 $0x77, s29  }
0x5a: {  	[tilespmem:s31+$0xFFFFFF99] =	vst v0  }
0x5b: {  	v0 =	vld [tilespmem:s0+$0x10];
	_ =	sdelay $0x2  }
0x5c: {  	s6 =	sadd.s32 $0x77, s28  }
0x5d: {  	s6 =	sand.u32 $0x1FFFF, s6  }
0x5e: {  	[tilespmem:s6+$0x7FA0] =	vst v0  }
0x5f: {  	v0 =	vld [tilespmem:s0+$0x20];
	_ =	sdelay $0x4  }
0x60: {  	[tilespmem:s6+$0x7FB0] =	vst v0  }
0x61: {  	v0 =	vld [tilespmem:s0+$0x30];
	_ =	sdelay $0x4  }
0x62: {  	[tilespmem:s6+$0x7FC0] =	vst v0  }
0x63: {  	v0 =	vld [tilespmem:s0+$0x40];
	_ =	sdelay $0x4  }
0x64: {  	[tilespmem:s6+$0x7FD0] =	vst v0  }
0x65: {  	v0 =	vld [tilespmem:s0+$0x50];
	_ =	sdelay $0x4  }
0x66: {  	[tilespmem:s6+$0x7FE0] =	vst v0  }
0x67: {  	v0 =	vld [tilespmem:s0+$0x60];
	_ =	sdelay $0x4  }
0x68: {  	s25 =	sadd.s32 $0x1, s25;
	[tilespmem:s6+$0x7FF0] =	vst v0  }
0x69: {  	p0 =	sne.s32 s25, $0x8;
	v0 =	vld [tilespmem:s0+$0x67]  }
.Ltmp1:
0x6a: {  	_ = 	snop;
	(pc) =	sbr.rel @p0 .LBB2_3-.Ltmp1, $3  }
0x6b: {  	_ =	sdelay $0x1  }
0x6c: {  	s23 =	sadd.s32 $0xC23, s23  }
0x6d: {  	s24 =	sadd.s32 $0xC23, s24;
	s20 =	sadd.s32 $0x1A, s20;
	s21 =	sadd.s32 $0xC30, s21;
	[tilespmem:s31+$0x0] =	vst v0  }
0x6e: {  	s0 =	sadd.s32 s5, s22  }
0x6f: {  	s0 =	smul.u32 $0xC23, s0  }
0x70: {  	s19 =	sadd.s32 $0x1, s19  }
0x71: {  	p0 =	sne.s32 s19, $0x10;
	s0 =	sshrl.u32 s0, $0x3  }
.Ltmp2:
0x72: {  	s0 =	sadd.s32 s2, s0;
	(pc) =	sbr.rel @p0 .LBB2_2-.Ltmp2, $4  }
0x73: {  	[hbm4b:s0+s3] =	stream.linear.scatter [tilespmem:s16], [sflag:$0x2], $0x6118, $0x38;
	[tilespmem:$0xE0B8] =	vst v63  }
0x74: {  	_ =	swait.ge [sflag:s17], $0x6118  }
0x75: {  	[sflag:s17] =	ssyncset.done $0x0  }
0x76: {  	[sflag:s17] =	ssyncadd.s32 $0xFFFF9EE8  }
0x77: {  	s18 =	sadd.s32 $0x1, s18  }
0x78: {  	p0 =	sne.s32 s18, s8  }
.Ltmp3:
0x79: {  	_ = 	snop;
	(pc) =	sbr.rel @p0 .LBB2_1-.Ltmp3, $1  }
0x7a: {  	_ =	sdelay $0x3  }
0x7b: {  	_ =	sfence.sel $0x180000  }
0x7c: {  	[bflag:$0x0] =	sbarrier.arrive $0xFFFF  }
0x7d: {  	_ =	strace $0x90000047  }
0x7e: {  	s0 =	stileid.u32;
	[bflag:$0x2] =	sbarrier.arrive $0xFFFF  }
0x7f: {  	p0 =	sne.s32 s0, $0x0;
	s0 =	rddreg [dreg:$0x2]  }
0x80: {  	s0 =	sadd.s32 @!p0 $0x100000, s0  }
0x81: {  	[sflag:s0] =	ssyncadd.tile.s32 @!p0 $0x1;
	_ =	shalt  }
.Lfunc_end2:
_tile_overlayer_lowered:
.L_overlay_start_2:
0x82: {  	(tag) =	ssettag $0x2  }
0x83: {  	s0 =	rddreg [dreg:$0x0];
	s2 =	stileid.u32  }
0x84: {  	s1 =	rddreg [dreg:$0x1];
	p0 =	sne.s32 s2, $0x0  }
0x85: {  	s3 =	rddreg [dreg:$0x2];
	[bflag:$0x3] =	sbarrier.arrive $0xFFFF;
	s2 =	simm.s32 @!p0 $0x1C04  }
0x86: {  	[timem:s3], [sflag:s2] =	dma.local @!p0 [hbm:s0], s1  }
0x87: {  	s0 =	simm.s32 @!p0 $0x4  }
0x88: {  	_ =	swait.ge @!p0 [sflag:s0], s1  }
0x89: {  	s1 =	ssub.s32 @!p0 $0x0, s1;
	[sflag:s0] =	ssyncset.done @!p0 $0x0  }
0x8a: {  	[sflag:s0] =	ssyncadd.s32 @!p0 s1  }
0x8b: {  	[bflag:$0x3] =	sbarrier.arrive $0xFFFF  }
0x8c: {  	_ =	shalt  }

// kernel: sparse-core-data-format-call.cloned.1.call-start
scs
called_computation_lowered:
.L_overlay_start_0:
0x0: {  	s2 =	sld [smem:$0x3FD9]  }
0x1: {  	s3 =	sld [smem:$0x3FFE];
	_ =	sdelay $0x1  }
0x2: {  	s1 =	srdreg.scid  }
0x3: {  	s0 =	sand.u32 $0x1, s1  }
0x4: {  	s18 =	sshll.u32 s0, $0xA;
	s2 =	sadd.s32 s3, s2  }
0x5: {  	s2 =	sadd.s32 s2, s18  }
0x6: {  	[smem:$0x3FC5] =	sst s2  }
0x7: {  	_ = 	snop  }
0x8: {  	s2 =	sld [smem:$0x3FD0];
	(tm) =	ssettm $0x1  }
0x9: {  	s19 =	sld [smem:$0x3FFB];
	_ =	sdelay $0x3  }
0xa: {  	_ =	strace s19  }
0xb: {  	s3 =	sld [smem:$0x3FFC];
	_ =	sdelay $0x3  }
0xc: {  	_ =	strace s3  }
0xd: {  	s3 =	sld [smem:$0x3FFD];
	_ =	sdelay $0x3  }
0xe: {  	_ =	strace s3  }
0xf: {  	_ =	strace $0x8FFFFFFF  }
0x10: {  	s20 =	sld [smem:$0x3FDB];
	_ =	sdelay $0x1  }
0x11: {  	s4 =	simm.s32 $_scs_section_size  }
0x12: {  	s5 =	simm.s32 $_size__tile_overlayer_lowered;
	s6 =	simm.s32 $_tile_overlayer_lowered  }
0x13: {  	s23 =	simm.s32 $0x1BFF;
	s22 =	sshll.u32 s6, $0x1;
	s3 =	sadd.s32 s4, s20  }
0x14: {  	s7 =	simm.s32 $0x0;
	s21 =	sshll.u32 s5, $0x1;
	s5 =	sadd.s32 s22, s3  }
0x15: {  	[timem:s7], [sflag:s23] =	dma.local [hbm:s5], s21  }
0x16: {  	_ =	swait.ge [sflag:s23], s21  }
0x17: {  	s4 =	ssub.s32 $0x0, s21;
	[sflag:s23] =	ssyncset.done $0x0  }
0x18: {  	[sflag:s23] =	ssyncadd.s32 s4;
	_ =	sdelay $0x1  }
0x19: {  	s24 =	simm.s32 $0x1B8B  }
0x1a: {  	_ =	swait.ge [sflag:s24], $0x1  }
0x1b: {  	[sflag:s24] =	ssyncset.done $0x0  }
0x1c: {  	s26 =	simm.s32 $0x1B8E;
	s25 =	sld [smem:$0x3FFE];
	[sflag:s24] =	ssyncadd.s32 $0xFFFFFFFF  }
0x1d: {  	s27 =	simm.s32 $execute0_lowered;
	[smem:$0x3FD2] =	sst s26  }
0x1e: {  	s5 =	sshll.u32 s27, $0x1;
	_ =	strace $0x80000049;
	[dreg:$0x1] =	wrdreg $0xFFFFFFFF  }
0x1f: {  	s28 =	simm.s32 $_size_execute0_lowered;
	s3 =	sadd.s32 s3, s5;
	[dreg:$0x0] =	wrdreg $0x0  }
0x20: {  	s5 =	sshll.u32 s28, $0x1;
	[dreg:$0x2] =	wrdreg s3  }
0x21: {  	[dreg:$0x3] =	wrdreg s5  }
0x22: {  	[dreg:$0x4] =	wrdreg $0xC0  }
0x23: {  	_ =	task [dreg:s7], $0x5FFFF  }
0x24: {  	[dreg:$0x1] =	wrdreg $0xFFFFFFFF  }
0x25: {  	[dreg:$0x0] =	wrdreg $0x60  }
0x26: {  	[dreg:$0x2] =	wrdreg s25  }
0x27: {  	[dreg:$0x3] =	wrdreg s2  }
0x28: {  	[dreg:$0x4] =	wrdreg $0x9  }
0x29: {  	_ =	task.clear_ibuf [dreg:s7], $0x5FFFF;
	_ =	strace $0x90000049  }
0x2a: {  	s29 =	simm.s32 $0x9;
	_ =	strace $0x8000004B  }
0x2b: {  	_ =	swait.ge [sflag:s29], $0x1  }
0x2c: {  	[sflag:s29] =	ssyncadd.s32 $0xFFFFFFFF  }
0x2d: {  	_ =	strace $0x9000004B  }
0x2e: {  	_ =	sfence  }
0x2f: {  	s30 =	sld [smem:$0x0];
	_ =	sdelay $0x2  }
0x30: {  	s31 =	sshll.u32 s1, $0xD;
	s1 =	sshrl.u32 s1, $0x2  }
0x31: {  	s3 =	sand.u32 $0x4000, s31;
	s1 =	sadd.s32 s1, s30  }
0x32: {  	s0 =	sor.u32 s3, s0;
	s1 =	sshll.u32 s1, $0x11  }
0x33: {  	s0 =	sor.u32 s1, s0  }
0x34: {  	s0 =	sadd.s32 $0x8F2B, s0  }
0x35: {  	[sflag:s0] =	ssyncadd.remote.s32 $0x1  }
0x36: {  	_ =	sfence.sel $0xFFFF  }
0x37: {  	[dreg:$0x0] =	wrdreg $0xFFFFFFFF;
	(pc) =	sbr.abs _section_cstart, $3  }
0x38: {  	[dreg:$0x1] =	wrdreg $0xFFFFFFFF  }
0x39: {  	_ =	task.clear_ibuf [dreg:s7], $0x2FFFF;
	_ =	strace $0x9FFFFFFF  }
0x3a: {  	(tm) =	ssettm $0x7FFFFFFF  }
0x3b: {  	_ =	shalt  }
tec
execute0_lowered:
.L_overlay_start_1:
0x0: {  	(tag) =	ssettag $0x1  }
0x1: {  	s0 =	srdreg.scid  }
0x2: {  	s1 =	sshll.u32 s0, $0x4  }
0x3: {  	s6 =	rddreg [dreg:$0x0];
	s0 =	stileid.u32;
	s1 =	sand.u32 $0x10, s1  }
0x4: {  	s3 =	rddreg [dreg:$0x1];
	s1 =	sor.u32 s0, s1  }
0x5: {  	s5 =	simm.s32 $0x1;
	s31 =	simm.s32 $0x2;
	s2 =	sshll.u32 s1, $0x7  }
0x6: {  	s15 =	simm.s32 $0x0;
	s8 =	simm.s32 $0x8000;
	s4 =	ssub.s32 $0x1000, s2  }
0x7: {  	s14 =	simm.s32 $0x0;
	s9 =	simm.s32 $0x0;
	s30 =	sand.u32 $0xF80, s4  }
0x8: {  	s10 =	simm.s32 $0x0;
	s11 =	simm.s32 $0x0;
	p0 =	sne.s32 s30, $0x0  }
.Ltmp0:
0x9: {  	s7 =	sshrl.u32 s4, $0xC;
	s5 =	simm.s32 @!p0 $0x0;
	(pc) =	sbr.rel .LBB1_1-.Ltmp0, $4  }
0xa: {  	s13 =	simm.s32 $0x0;
	s1 =	rddreg [dreg:$0x2];
	s5 =	sadd.s32 s5, s7  }
0xb: {  	_ =	strace $0x8000004A;
	s4 =	simm.s32 $0x1;
	s5 =	smul.u32 $0x19, s5  }
0xc: {  	s6 =	sadd.s32 $0xE00, s6;
	s12 =	smov.u32 s2;
	[sflag:s4] =	ssyncpa.u1 $0x0  }
0xd: {  	[sflag:s31] =	ssyncpa.u1 $0x0;
	p0 =	por $0x0, $0x0;
	s7 =	sadd.s32 $0x1, s5  }
.LBB1_4:
0xe: {  	s20 =	sshra.s32 s20, $0x2  }
0xf: {  	s28 =	sand.u32 $0x78, s10;
	s21 =	sshll.u32 s9, $0xC;
	s22 =	sshll.u32 s10, $0x3  }
0x10: {  	s24 =	sshll.u32 s9, $0x7;
	p1 =	sgt.s32 s9, $0xBA8;
	s30 =	sshra.s32 s9, $0x1F  }
0x11: {  	s26 =	sshra.s32 s10, $0x1F;
	s19 =	sadd.s32 s20, s19;
	s21 =	sand.u32 $0xFFFF8000, s21  }
0x12: {  	v5 =	vld [tilespmem:s17+$0xFFFFFFD0];
	[tilespmem:s18+$0x2040 ss:$0x81] =	vst.msk $0xffff, v4;
	s23 =	sand.u32 $0xFFFFFC00, s22;
	s29 =	sand.u32 $0x380, s24;
	s22 =	sand.u32 $0xC00, s22  }
0x13: {  	v58 =	vld [tilespmem:s17+$0xFFFFFFE0];
	[tilespmem:s18+$0x2850 ss:$0x81] =	vst.msk $0xffff, v3;
	s21 =	sadd.s32 s23, s21;
	s20 =	sor.u32 s28, s22;
	s22 =	smov.u32 s9  }
0x14: {  	v59 =	vld [tilespmem:s17+$0xFFFFFFF0];
	[tilespmem:s18+$0x3060 ss:$0x81] =	vst.msk $0xffff, v2;
	s24 =	sand.u32 s30, s9;
	s21 =	sshrl.u32 s21, $0xC;
	s22 =	simm.s32 @!p1 $0xBA8  }
0x15: {  	v60 =	vld [tilespmem:s17+$0x0];
	[tilespmem:s18+$0x0 ss:$0x81] =	vst.msk $0xffff, v1;
	p1 =	sgt.s32 s10, $0xF80;
	s31 =	ssub.s32 s22, s24;
	s22 =	smov.u32 s10  }
0x16: {  	v61 =	vld [tilespmem:s17+$0x10];
	[tilespmem:s19+$0x3870 ss:$0x81] =	vst.msk $0xffff, v0;
	s25 =	smulhi.u32 $0x150F23, s21;
	s24 =	sand.u32 s26, s10;
	s22 =	simm.s32 @!p1 $0xF80  }
0x17: {  	v62 =	vld [tilespmem:s17+$0x20];
	s20 =	sor.u32 s29, s20;
	[tilespmem:s19+$0x810 ss:$0x81] =	vst.msk $0xffff, v5;
	s27 =	sadd.s32 $0xFFFFF458, s31;
	s22 =	ssub.s32 s22, s24  }
0x18: {  	v63 =	vld [tilespmem:s17+$0xFFFFFFC0];
	[tilespmem:s19+$0x1020 ss:$0x81] =	vst.msk $0xffff, v58;
	s18 =	ssub.s32 $0xC28, s31;
	s28 =	smul.u32 $0xC28, s25;
	s29 =	sadd.s32 $0xFFFFF080, s22  }
0x19: {  	[tilespmem:s19+$0x1830 ss:$0x81] =	vst.msk $0xffff, v59;
	p1 =	sgt.s32 s27, $0x7F;
	s22 =	ssub.s32 $0x1000, s22;
	p2 =	sgt.s32 s29, $0x7F  }
0x1a: {  	s30 =	sand.u32 $0x7, s10;
	[tilespmem:s19+$0x2040 ss:$0x81] =	vst.msk $0xffff, v60;
	s18 =	simm.s32 @p1 $0x0;
	s22 =	simm.s32 @p2 $0x0  }
0x1b: {  	s20 =	sshrl.u32 s20, $0x3;
	[tilespmem:s19+$0x2850 ss:$0x81] =	vst.msk $0xffff, v61;
	s17 =	ssub.s32 s21, s28;
	s18 =	smul.u32 s22, s18  }
0x1c: {  	[tilespmem:s19+$0x3060 ss:$0x81] =	vst.msk $0xffff, v62;
	s20 =	sadd.s32 s3, s20;
	s21 =	sshll.u32 s30, $0x12;
	s17 =	sshll.u32 s17, $0x9  }
0x1d: {  	[tilespmem:s19+$0x0 ss:$0x81] =	vst.msk $0xffff, v63;
	s31 =	sor.u32 $0x400, s21;
	s17 =	sadd.s32 s17, s20;
	s18 =	sand.u32 $0x3FFFFFFF, s18  }
0x1e: {  	[hbm4b:s17+s31] =	stream.strided.scatter [tilespmem:s16], [sflag:$0x2], s18, s8, s31, $0x20;
	[tilespmem:$0x10100] =	vst v63  }
.LBB1_5:
0x1f: {  	p1 =	slt.u32 s13, $0x2  }
0x20: {  	s17 =	smov.u32 s15;
	p2 =	sgt.s32 @!p1 s15, $0xBA8;
	s16 =	sshra.s32 @!p1 s15, $0x1F  }
0x21: {  	p3 =	sgt.s32 @!p1 s14, $0xF80;
	s18 =	sshra.s32 @!p1 s14, $0x1F;
	p2 =	por !p2, p1  }
0x22: {  	s15 =	sand.u32 @!p1 s16, s15;
	p3 =	por !p3, p1;
	s16 =	smov.u32 s14  }
0x23: {  	s14 =	sand.u32 @!p1 s18, s14;
	s17 =	simm.s32 @p2 $0xBA8;
	s16 =	simm.s32 @p3 $0xF80  }
0x24: {  	s15 =	ssub.s32 @!p1 s17, s15;
	s14 =	ssub.s32 @!p1 s16, s14  }
0x25: {  	s18 =	smov.u32 s12;
	s16 =	sadd.s32 @!p1 $0xFFFFF458, s15;
	s17 =	sadd.s32 @!p1 $0xFFFFF080, s14  }
0x26: {  	s15 =	ssub.s32 @!p1 $0xC28, s15;
	p2 =	sgt.s32 @!p1 s16, $0x7F;
	p3 =	sgt.s32 @!p1 s17, $0x7F  }
0x27: {  	s14 =	ssub.s32 @!p1 $0x1000, s14;
	p2 =	por !p2, p1;
	p3 =	por !p3, p1  }
0x28: {  	s16 =	sadd.s32 $0x80, s11;
	s15 =	simm.s32 @!p2 $0x0;
	s14 =	simm.s32 @!p3 $0x0  }
0x29: {  	p2 =	sgt.s32 s16, $0xC22;
	s14 =	smul.u32 @!p1 s14, s15;
	s15 =	sadd.s32 $0x1000, s12  }
0x2a: {  	s18 =	smov.u32 @p2 s15  }
0x2b: {  	s16 =	simm.s32 @p2 $0x0;
	p2 =	sgt.s32 s18, $0xFFF  }
0x2c: {  	s18 =	smov.u32 @p2 s2;
	p2 =	sne.s32 s13, s7  }
.Ltmp1:
0x2d: {  	p0 =	por !p0, !p0;
	s17 =	simm.s32 @!p1 $0x2;
	(pc) =	sbr.rel @!p2 .LBB1_6-.Ltmp1, $4  }
0x2e: {  	s15 =	smov.u32 s9;
	s9 =	smov.u32 s11;
	s14 =	sand.u32 @!p1 $0x3FFFFFFF, s14  }
0x2f: {  	s11 =	smov.u32 s16;
	_ =	swait.ge @!p1 [sflag:s17], s14;
	s19 =	ssub.s32 @!p1 $0x0, s14  }
0x30: {  	s14 =	smov.u32 s10;
	s13 =	sadd.s32 $0x1, s13;
	[sflag:s17] =	ssyncset.done @!p1 $0x0  }
0x31: {  	s10 =	smov.u32 s12;
	s12 =	smov.u32 s18;
	[sflag:s17] =	ssyncadd.s32 @!p1 s19  }
.LBB1_1:
0x32: {  	p1 =	sge.u32 s13, s5  }
0x33: {  	s16 =	sshrl.u32 @!p1 s12, $0x3  }
0x34: {  	s17 =	sshll.u32 @!p1 s11, $0x3;
	s16 =	smul.u32 @!p1 $0x6400, s16  }
0x35: {  	s18 =	sshll.u32 @!p1 s12, $0x7;
	s17 =	sand.u32 @!p1 $0xFFFFFC00, s17  }
0x36: {  	s16 =	sadd.s32 @!p1 s16, s17;
	s17 =	sand.u32 @!p1 $0x380, s18  }
0x37: {  	s18 =	sand.u32 @!p1 $0x7F, s11;
	s16 =	sor.u32 @!p1 s17, s16  }
0x38: {  	s17 =	sor.u32 @!p1 s18, s16  }
0x39: {  	s18 =	smulhi.u32 @!p1 $0x51EB851F, s17;
	_ =	sdelay $0x1  }
0x3a: {  	s16 =	smulhi.u32 @!p1 $0x51EB851F, s16;
	s18 =	sshrl.u32 @!p1 s18, $0xA  }
0x3b: {  	s18 =	smul.u32 @!p1 $0xC80, s18  }
0x3c: {  	s31 =	sadd.s32 $0xFFFFFFFF, s13;
	s19 =	sxor.u32 @!p1 $0xFFFFFFFF, s13;
	s16 =	sshrl.u32 @!p1 s16, $0xA  }
0x3d: {  	s19 =	sshll.u32 @!p1 s19, $0xE;
	s16 =	sand.u32 @!p1 $0xFFF, s16;
	s17 =	ssub.s32 @!p1 s17, s18  }
0x3e: {  	s16 =	smul.u32 @!p1 $0x190, s16;
	s18 =	sshrl.u32 @!p1 s17, $0x3;
	s17 =	sand.u32 @!p1 $0x7, s17  }
0x3f: {  	s19 =	sand.u32 @!p1 $0x4000, s19;
	s18 =	sadd.s32 @!p1 s6, s18;
	s17 =	sshll.u32 @!p1 s17, $0x12  }
0x40: {  	s16 =	sadd.s32 @!p1 s16, s18;
	s17 =	sor.u32 @!p1 $0x400, s17;
	s18 =	simm.s32 @!p1 $0x6400  }
0x41: {  	[tilespmem:s19], [sflag:$0x1] =	stream.strided.gather @!p1 [hbm4b:s16+s17], $0x4000, s18, s17, $0x38;
	[tilespmem:$0x10100] =	vst v63  }
0x42: {  	p1 =	sge.u32 s31, s5  }
.Ltmp2:
0x43: {  	_ = 	snop;
	(pc) =	sbr.rel @p1 .LBB1_5-.Ltmp2, $1  }
0x44: {  	_ =	sdelay $0x3  }
0x45: {  	s16 =	simm.s32 $0x1  }
0x46: {  	_ =	swait.ge [sflag:s4], $0x4000;
	s16 =	simm.s32 @!p0 $0x0  }
0x47: {  	[sflag:s4] =	ssyncset.done $0x0;
	s17 =	sshll.u32 s16, $0xE  }
0x48: {  	[sflag:s4] =	ssyncadd.s32 $0xFFFFC000;
	s17 =	sor.u32 $0x40, s17  }
0x49: {  	s16 =	smul.u32 $0x10200, s16;
	v0 =	vld [tilespmem:s17+$0x30]  }
0x4a: {  	v1 =	vld [tilespmem:s17+$0xFFFFFFD0]  }
0x4b: {  	s16 =	sshrl.u32 s16, $0x2;
	v5 =	vld [tilespmem:s17+$0xFFFFFFE0]  }
0x4c: {  	v6 =	vld [tilespmem:s17+$0xFFFFFFF0];
	s19 =	sor.u32 $0x8000, s16  }
0x4d: {  	s31 =	sand.u32 $0x1, s13;
	v4 =	vld [tilespmem:s17+$0x0];
	s18 =	sadd.s32 $0x0, s19  }
0x4e: {  	v3 =	vld [tilespmem:s17+$0x10];
	s16 =	smul.u32 $0x10200, s31;
	[tilespmem:s18+$0x3870 ss:$0x81] =	vst.msk $0xffff, v0  }
0x4f: {  	v2 =	vld [tilespmem:s17+$0x20];
	[tilespmem:s18+$0x810 ss:$0x81] =	vst.msk $0xffff, v1  }
0x50: {  	s16 =	sshrl.u32 s16, $0x2;
	v1 =	vld [tilespmem:s17+$0xFFFFFFC0];
	[tilespmem:s18+$0x1020 ss:$0x81] =	vst.msk $0xffff, v5;
	s17 =	sadd.s32 $0x80, s17  }
0x51: {  	s20 =	simm.s32 $0x4;
	s21 =	simm.s32 $0x8;
	s16 =	sor.u32 $0x8000, s16;
	[tilespmem:s18+$0x1830 ss:$0x81] =	vst.msk $0xffff, v6;
	v0 =	vld [tilespmem:s17+$0x30]  }
.LBB1_3:
0x52: {  	p1 =	sne.s32 s21, $0x1FC;
	v5 =	vld [tilespmem:s17+$0xFFFFFFD0];
	[tilespmem:s18+$0x2040 ss:$0x81] =	vst.msk $0xffff, v4  }
0x53: {  	v6 =	vld [tilespmem:s17+$0xFFFFFFE0];
	[tilespmem:s18+$0x2850 ss:$0x81] =	vst.msk $0xffff, v3  }
0x54: {  	s22 =	sshra.s32 s20, $0x2;
	s20 =	smov.u32 s21;
	v7 =	vld [tilespmem:s17+$0xFFFFFFF0];
	[tilespmem:s18+$0x3060 ss:$0x81] =	vst.msk $0xffff, v2  }
.Ltmp3:
0x55: {  	v4 =	vld [tilespmem:s17+$0x0];
	[tilespmem:s18+$0x0 ss:$0x81] =	vst.msk $0xffff, v1;
	s18 =	sadd.s32 s22, s19;
	(pc) =	sbr.rel @p1 .LBB1_3-.Ltmp3, $4  }
0x56: {  	v3 =	vld [tilespmem:s17+$0x10];
	[tilespmem:s18+$0x3870 ss:$0x81] =	vst.msk $0xffff, v0  }
0x57: {  	[tilespmem:s18+$0x810 ss:$0x81] =	vst.msk $0xffff, v5;
	v2 =	vld [tilespmem:s17+$0x20]  }
0x58: {  	v1 =	vld [tilespmem:s17+$0xFFFFFFC0];
	[tilespmem:s18+$0x1020 ss:$0x81] =	vst.msk $0xffff, v6;
	s17 =	sadd.s32 $0x80, s17  }
0x59: {  	s21 =	sadd.s32 $0x4, s21;
	v0 =	vld [tilespmem:s17+$0x30];
	[tilespmem:s18+$0x1830 ss:$0x81] =	vst.msk $0xffff, v7  }
.Ltmp4:
0x5a: {  	_ = 	snop;
	(pc) =	sbr.rel .LBB1_4-.Ltmp4, $1  }
0x5b: {  	_ =	sdelay $0x3  }
.LBB1_6:
0x5c: {  	_ =	sfence.sel $0x180000  }
0x5d: {  	s2 =	simm.s32 $0x1;
	[bflag:$0x0] =	sbarrier.arrive $0xFFFF  }
0x5e: {  	s31 =	simm.s32 $0x2;
	[sflag:s2] =	ssyncpa.u1 $0x1  }
0x5f: {  	[sflag:s31] =	ssyncpa.u1 $0x1  }
0x60: {  	p0 =	sne.s32 s0, $0x0;
	_ =	strace $0x9000004A  }
0x61: {  	s0 =	sadd.s32 @!p0 $0x100000, s1;
	[bflag:$0x2] =	sbarrier.arrive $0xFFFF  }
0x62: {  	[sflag:s0] =	ssyncadd.tile.s32 @!p0 $0x1;
	_ =	shalt  }
.Lfunc_end1:
_tile_overlayer_lowered:
.L_overlay_start_2:
0x63: {  	(tag) =	ssettag $0x2  }
0x64: {  	s0 =	rddreg [dreg:$0x0];
	s2 =	stileid.u32  }
0x65: {  	s1 =	rddreg [dreg:$0x1];
	p0 =	sne.s32 s2, $0x0  }
0x66: {  	s3 =	rddreg [dreg:$0x2];
	[bflag:$0x3] =	sbarrier.arrive $0xFFFF;
	s2 =	simm.s32 @!p0 $0x1C01  }
0x67: {  	[timem:s3], [sflag:s2] =	dma.local @!p0 [hbm:s0], s1  }
0x68: {  	s0 =	simm.s32 @!p0 $0x1  }
0x69: {  	_ =	swait.ge @!p0 [sflag:s0], s1  }
0x6a: {  	s1 =	ssub.s32 @!p0 $0x0, s1;
	[sflag:s0] =	ssyncset.done @!p0 $0x0  }
0x6b: {  	[sflag:s0] =	ssyncadd.s32 @!p0 s1  }
0x6c: {  	[bflag:$0x3] =	sbarrier.arrive $0xFFFF  }
0x6d: {  	_ =	shalt  }

</sc_bundles>
